<compile_context>
chip_gen: v7x
topology: tpu7x:2x2x1
jax: 0.10.2.dev20260603
libtpu: 0.0.44.dev20260713+nightly
codegen_flags: <defaults>
</compile_context>

<pallas_src>
import functools
import math

import jax
import jax.numpy as jnp
from jax import lax
from jax.experimental import pallas as pl
from jax.experimental.pallas import tpu as pltpu
from jax.experimental.pallas import tpu_sc as plsc

L = 16


def _sc_segment_sums(dst_index, src_attr, n, num_workers):
    e = dst_index.shape[0]
    e_per_w = e // num_workers
    mesh = plsc.VectorSubcoreMesh(core_axis_name="c", subcore_axis_name="s")

    @functools.partial(
        pl.kernel,
        out_type=(
            jax.ShapeDtypeStruct((num_workers, n), jnp.float32),
            jax.ShapeDtypeStruct((num_workers, n), jnp.float32),
        ),
        mesh=mesh,
        compiler_params=pltpu.CompilerParams(needs_layout_passes=False),
        scratch_types=(
            pltpu.VMEM((e_per_w,), jnp.int32),
            pltpu.VMEM((e_per_w,), jnp.float32),
            pltpu.VMEM((n,), jnp.float32),
            pltpu.VMEM((n,), jnp.float32),
            pltpu.SemaphoreType.DMA,
            pltpu.SemaphoreType.DMA,
        ),
    )
    def seg_kernel(idx_hbm, attr_hbm, s_out, c_out,
                   idx_v, attr_v, s_acc, c_acc, sem1, sem2):
        wid = lax.axis_index("s") * 2 + lax.axis_index("c")
        base = wid * e_per_w
        cp1 = pltpu.async_copy(idx_hbm.at[pl.ds(base, e_per_w)], idx_v, sem1)
        cp2 = pltpu.async_copy(attr_hbm.at[pl.ds(base, e_per_w)], attr_v, sem2)

        zeros = jnp.zeros((L,), jnp.float32)

        @plsc.parallel_loop(0, n // L, 1, unroll=4)
        def zero_body(i):
            s_acc[pl.ds(i * L, L)] = zeros
            c_acc[pl.ds(i * L, L)] = zeros

        cp1.wait()
        cp2.wait()

        ones = jnp.ones((L,), jnp.float32)

        @plsc.parallel_loop(0, e_per_w // L, 1, unroll=8)
        def body(i):
            idx = idx_v[pl.ds(i * L, L)]
            val = attr_v[pl.ds(i * L, L)]
            plsc.addupdate_scatter(s_acc, [idx], val)
            plsc.addupdate_scatter(c_acc, [idx], ones)

        pltpu.sync_copy(s_acc, s_out.at[wid])
        pltpu.sync_copy(c_acc, c_out.at[wid])

    return seg_kernel(dst_index, src_attr)


def _tc_combine(ps, pc, wlin_row, blin_row, wdtp_row, W_proj, bproj_row, scale):
    nw, n = ps.shape
    c = W_proj.shape[0]

    def body(ps_ref, pc_ref, wlin_ref, blin_ref, wdtp_ref, wproj_ref,
             bproj_ref, out_ref):
        dvec = (wlin_ref[...] + blin_ref[...]) * wdtp_ref[...]
        u = lax.dot_general(dvec, wproj_ref[...], (((1,), (1,)), ((), ())),
                            preferred_element_type=jnp.float32)
        u_rows = jnp.broadcast_to(u * scale, (nw, c))
        b_rows = jnp.broadcast_to(bproj_ref[...] * scale, (nw, c))
        out = lax.dot_general(ps_ref[...], u_rows, (((0,), (0,)), ((), ())),
                              preferred_element_type=jnp.float32)
        out += lax.dot_general(pc_ref[...], b_rows, (((0,), (0,)), ((), ())),
                               preferred_element_type=jnp.float32)
        out_ref[...] = out

    return pl.pallas_call(
        body,
        out_shape=jax.ShapeDtypeStruct((n, c), jnp.float32),
    )(ps, pc, wlin_row, blin_row, wdtp_row, W_proj, bproj_row)


def kernel(dst_input, src_attr, dst_index, W_lin, b_lin, w_dtp, W_proj, b_proj):
    n, c = dst_input.shape
    e = dst_index.shape[0]
    num_workers = 32
    scale = 1.0 / math.sqrt(32.0)

    ps, pc = _sc_segment_sums(dst_index, src_attr.reshape(e), n, num_workers)
    return _tc_combine(ps, pc, W_lin.reshape(1, c), b_lin.reshape(1, c),
                       w_dtp.reshape(1, c), W_proj, b_proj.reshape(1, c), scale)

# --- scband reference (transcript-rebuilt; emitter-appended) ---
"""Pipeline reference for scband-degree-embedding-network-29927332118768 (READ-ONLY COPY).

The authoritative reference and input builder live on the scoring server;
editing this copy changes nothing except your own understanding.
"""

import jax, jax.numpy as jnp
import numpy as np

N = 10000
E = 320000
C = 128
AVG_AGG = 32.0


def setup_inputs(seed: int = 0) -> dict:
    key = jax.random.key(seed)
    ks = jax.random.split(key, 8)
    dst_input = jax.random.normal(ks[0], (N, C), dtype=jnp.float32)
    src_attr = jax.random.normal(ks[1], (E, 1), dtype=jnp.float32)
    dst_index = jax.random.randint(ks[2], (E,), 0, N, dtype=jnp.int32)
    # LinearRS('1x0e' -> '128x0e') with bias, rescale folded into weights
    W_lin = jax.random.normal(ks[3], (C, 1), dtype=jnp.float32)
    b_lin = jax.random.normal(ks[4], (C,), dtype=jnp.float32) * 0.1
    # DepthwiseTensorProduct(128x0e x 1x0e -> 128x0e): scalar x scalar paths,
    # one internal weight per channel (path normalization absorbed into weight)
    w_dtp = jax.random.normal(ks[5], (C,), dtype=jnp.float32)
    # proj LinearRS(128x0e -> 128x0e)
    W_proj = jax.random.normal(ks[6], (C, C), dtype=jnp.float32) / jnp.sqrt(float(C))
    b_proj = jax.random.normal(ks[7], (C,), dtype=jnp.float32) * 0.1
    return {
        "dst_input": dst_input,
        "src_attr": src_attr,
        "dst_index": dst_index,
        "W_lin": W_lin,
        "b_lin": b_lin,
        "w_dtp": w_dtp,
        "W_proj": W_proj,
        "b_proj": b_proj,
    }


def reference(dst_input, src_attr, dst_index, W_lin, b_lin, w_dtp, W_proj, b_proj):
    # dst_features = ones_like(dst_input.narrow(1, 0, 1))
    ones = jnp.ones_like(dst_input[:, 0:1])
    # self.lin: LinearRS(1x0e -> 128x0e)
    dst_features = ones @ W_lin.T + b_lin  # [N, C]
    # self.dtp: depthwise tensor product on gathered dst features with src_attr
    gathered = jnp.take(dst_features, dst_index, axis=0)  # [E, C]
    deg_features = gathered * src_attr * w_dtp  # 0e x 0e -> 0e per-channel
    # self.proj
    deg_features = deg_features @ W_proj.T + b_proj  # [E, C]
    # self.scale_scatter: scatter-add over dst_index, scaled by 1/sqrt(avg_aggregate_num)
    out = jax.ops.segment_sum(deg_features, dst_index, num_segments=dst_features.shape[0])
    out = out / jnp.sqrt(AVG_AGG)
    return out

if __name__ == "__main__":
    import jax
    _d = setup_inputs()
    print(jax.jit(kernel)(*tuple(_d.values())))

</pallas_src>

<mosaic_0001>
#map = affine_map<(d0, d1) -> (0)>
#map1 = affine_map<(d0, d1) -> (0, 0)>
module attributes {stable_mosaic.version = 14 : i64} {
  func.func @seg_kernel(%arg0: i32, %arg1: i32, %arg2: memref<320000xi32, #tpu.memory_space<hbm>>, %arg3: memref<320000xf32, #tpu.memory_space<hbm>>, %arg4: memref<32x10000xf32, #tpu.memory_space<hbm>>, %arg5: memref<32x10000xf32, #tpu.memory_space<hbm>>, %arg6: memref<10000xi32, #tpu.memory_space<vmem>>, %arg7: memref<10000xf32, #tpu.memory_space<vmem>>, %arg8: memref<10000xf32, #tpu.memory_space<vmem>>, %arg9: memref<10000xf32, #tpu.memory_space<vmem>>, %arg10: memref<!tpu.dma_semaphore, #tpu.memory_space<semaphore_mem>>, %arg11: memref<!tpu.dma_semaphore, #tpu.memory_space<semaphore_mem>>) attributes {dimension_semantics = [#tpu.dimension_semantics<core_parallel>, #tpu.dimension_semantics<subcore_parallel>], iteration_bounds = array<i64: 2, 16>, scalar_prefetch = 0 : i64, scratch_operands = 6 : i64, tpu.core_type = #tpu.core_type<sc_vector_subcore>, window_params = [{transform_indices = #map}, {transform_indices = #map}, {transform_indices = #map1}, {transform_indices = #map1}]} {
    %mul3A = arith.constant 2 : i32
    %mul3A_0 = arith.muli %arg1, %mul3A : i32
    %add3A = arith.addi %mul3A_0, %arg0 : i32
    %mul3A_1 = arith.constant 10000 : i32
    %mul3A_2 = arith.muli %add3A, %mul3A_1 : i32
    %dma_start3A = tpu.memref_slice %arg2[%mul3A_2] : memref<320000xi32, #tpu.memory_space<hbm>> -> memref<10000xi32, #tpu.memory_space<hbm>>
    %dma_start3A_3 = tpu.memref_slice %arg2[%mul3A_2] : memref<320000xi32, #tpu.memory_space<hbm>> -> memref<10000xi32, #tpu.memory_space<hbm>>
    tpu.enqueue_dma source(%dma_start3A_3 : memref<10000xi32, #tpu.memory_space<hbm>>) target(%arg6 : memref<10000xi32, #tpu.memory_space<vmem>>) target_semaphore(%arg10 : memref<!tpu.dma_semaphore, #tpu.memory_space<semaphore_mem>>)
    %dma_start3A_4 = tpu.memref_slice %arg3[%mul3A_2] : memref<320000xf32, #tpu.memory_space<hbm>> -> memref<10000xf32, #tpu.memory_space<hbm>>
    %dma_start3A_5 = tpu.memref_slice %arg3[%mul3A_2] : memref<320000xf32, #tpu.memory_space<hbm>> -> memref<10000xf32, #tpu.memory_space<hbm>>
    tpu.enqueue_dma source(%dma_start3A_5 : memref<10000xf32, #tpu.memory_space<hbm>>) target(%arg7 : memref<10000xf32, #tpu.memory_space<vmem>>) target_semaphore(%arg11 : memref<!tpu.dma_semaphore, #tpu.memory_space<semaphore_mem>>)
    %broadcast_in_dim3A = arith.constant 0.000000e+00 : f32
    %broadcast_in_dim3A_6 = vector.broadcast %broadcast_in_dim3A : f32 to vector<16xf32>
    %parallel_loop3A = arith.constant 0 : i32
    %parallel_loop3A_7 = arith.constant 625 : i32
    %parallel_loop3A_8 = arith.constant 1 : i32
    scf.for %parallel_loop3A_17 = %parallel_loop3A to %parallel_loop3A_7 step %parallel_loop3A_8  : i32 {
      %parallel_loop3A_18 = arith.constant 16 : i32
      %parallel_loop3A_19 = arith.muli %parallel_loop3A_17, %parallel_loop3A_18 : i32
      %parallel_loop3A_20 = arith.index_cast %parallel_loop3A_19 : i32 to index
      %parallel_loop3A_21 = tpu.vector_load %arg8[%parallel_loop3A_20] {strides = array<i32>} : memref<10000xf32, #tpu.memory_space<vmem>>, vector<16xf32>,
      tpu.vector_store %arg8[%parallel_loop3A_20], %broadcast_in_dim3A_6 {strides = array<i32>} : memref<10000xf32, #tpu.memory_space<vmem>>, vector<16xf32>,
      %parallel_loop3A_22 = arith.constant 16 : i32
      %parallel_loop3A_23 = arith.muli %parallel_loop3A_17, %parallel_loop3A_22 : i32
      %parallel_loop3A_24 = arith.index_cast %parallel_loop3A_23 : i32 to index
      %parallel_loop3A_25 = tpu.vector_load %arg9[%parallel_loop3A_24] {strides = array<i32>} : memref<10000xf32, #tpu.memory_space<vmem>>, vector<16xf32>,
      tpu.vector_store %arg9[%parallel_loop3A_24], %broadcast_in_dim3A_6 {strides = array<i32>} : memref<10000xf32, #tpu.memory_space<vmem>>, vector<16xf32>,
    } {sc.loop_unroll_factor = 4 : i64, sc.parallel_access}
    %dma_wait3A = tpu.memref_slice %arg2[%mul3A_2] : memref<320000xi32, #tpu.memory_space<hbm>> -> memref<10000xi32, #tpu.memory_space<hbm>>
    %dma_wait3A_9 = tpu.memref_slice %arg2[%mul3A_2] : memref<320000xi32, #tpu.memory_space<hbm>> -> memref<10000xi32, #tpu.memory_space<hbm>>
    tpu.wait_dma2 semaphore(%arg10 : memref<!tpu.dma_semaphore, #tpu.memory_space<semaphore_mem>>) src(%dma_wait3A_9 : memref<10000xi32, #tpu.memory_space<hbm>>) dst(%arg6 : memref<10000xi32, #tpu.memory_space<vmem>>)
    %dma_wait3A_10 = tpu.memref_slice %arg3[%mul3A_2] : memref<320000xf32, #tpu.memory_space<hbm>> -> memref<10000xf32, #tpu.memory_space<hbm>>
    %dma_wait3A_11 = tpu.memref_slice %arg3[%mul3A_2] : memref<320000xf32, #tpu.memory_space<hbm>> -> memref<10000xf32, #tpu.memory_space<hbm>>
    tpu.wait_dma2 semaphore(%arg11 : memref<!tpu.dma_semaphore, #tpu.memory_space<semaphore_mem>>) src(%dma_wait3A_11 : memref<10000xf32, #tpu.memory_space<hbm>>) dst(%arg7 : memref<10000xf32, #tpu.memory_space<vmem>>)
    %broadcast_in_dim3A_12 = arith.constant 1.000000e+00 : f32
    %broadcast_in_dim3A_13 = vector.broadcast %broadcast_in_dim3A_12 : f32 to vector<16xf32>
    %parallel_loop3A_14 = arith.constant 0 : i32
    %parallel_loop3A_15 = arith.constant 625 : i32
    %parallel_loop3A_16 = arith.constant 1 : i32
    scf.for %parallel_loop3A_17 = %parallel_loop3A_14 to %parallel_loop3A_15 step %parallel_loop3A_16  : i32 {
      %parallel_loop3A_18 = arith.constant 16 : i32
      %parallel_loop3A_19 = arith.muli %parallel_loop3A_17, %parallel_loop3A_18 : i32
      %parallel_loop3A_20 = arith.index_cast %parallel_loop3A_19 : i32 to index
      %parallel_loop3A_21 = tpu.vector_load %arg6[%parallel_loop3A_20] {strides = array<i32>} : memref<10000xi32, #tpu.memory_space<vmem>>, vector<16xi32>,
      %parallel_loop3A_22 = arith.constant 16 : i32
      %parallel_loop3A_23 = arith.muli %parallel_loop3A_17, %parallel_loop3A_22 : i32
      %parallel_loop3A_24 = arith.index_cast %parallel_loop3A_23 : i32 to index
      %parallel_loop3A_25 = tpu.vector_load %arg7[%parallel_loop3A_24] {strides = array<i32>} : memref<10000xf32, #tpu.memory_space<vmem>>, vector<16xf32>,
      tpu.vector_store_idx %arg8[%parallel_loop3A_21], %parallel_loop3A_25 {add = true} : memref<10000xf32, #tpu.memory_space<vmem>>[vector<16xi32>], vector<16xf32>,
      tpu.vector_store_idx %arg9[%parallel_loop3A_21], %broadcast_in_dim3A_13 {add = true} : memref<10000xf32, #tpu.memory_space<vmem>>[vector<16xi32>], vector<16xf32>,
    } {sc.loop_unroll_factor = 8 : i64, sc.parallel_access}
    "tpu.region"() ({
      %run_scoped3A = tpu.sem_alloc : memref<!tpu.dma_semaphore, #tpu.memory_space<semaphore_mem>>
      %dma_start3A_17 = arith.constant 0 : i32
      %dma_start3A_18 = tpu.memref_slice %arg4[%add3A, %dma_start3A_17] : memref<32x10000xf32, #tpu.memory_space<hbm>> -> memref<1x10000xf32, #tpu.memory_space<hbm>>
      %dma_start3A_19 = tpu.memref_squeeze %dma_start3A_18 : memref<1x10000xf32, #tpu.memory_space<hbm>> -> memref<10000xf32, #tpu.memory_space<hbm>>
      %dma_start3A_20 = arith.constant 0 : i32
      %dma_start3A_21 = tpu.memref_slice %arg4[%add3A, %dma_start3A_20] : memref<32x10000xf32, #tpu.memory_space<hbm>> -> memref<1x10000xf32, #tpu.memory_space<hbm>>
      %dma_start3A_22 = tpu.memref_squeeze %dma_start3A_21 : memref<1x10000xf32, #tpu.memory_space<hbm>> -> memref<10000xf32, #tpu.memory_space<hbm>>
      tpu.enqueue_dma source(%arg8 : memref<10000xf32, #tpu.memory_space<vmem>>) target(%dma_start3A_22 : memref<10000xf32, #tpu.memory_space<hbm>>) target_semaphore(%run_scoped3A : memref<!tpu.dma_semaphore, #tpu.memory_space<semaphore_mem>>)
      %dma_wait3A_23 = arith.constant 0 : i32
      %dma_wait3A_24 = tpu.memref_slice %arg4[%add3A, %dma_wait3A_23] : memref<32x10000xf32, #tpu.memory_space<hbm>> -> memref<1x10000xf32, #tpu.memory_space<hbm>>
      %dma_wait3A_25 = tpu.memref_squeeze %dma_wait3A_24 : memref<1x10000xf32, #tpu.memory_space<hbm>> -> memref<10000xf32, #tpu.memory_space<hbm>>
      %dma_wait3A_26 = arith.constant 0 : i32
      %dma_wait3A_27 = tpu.memref_slice %arg4[%add3A, %dma_wait3A_26] : memref<32x10000xf32, #tpu.memory_space<hbm>> -> memref<1x10000xf32, #tpu.memory_space<hbm>>
      %dma_wait3A_28 = tpu.memref_squeeze %dma_wait3A_27 : memref<1x10000xf32, #tpu.memory_space<hbm>> -> memref<10000xf32, #tpu.memory_space<hbm>>
      tpu.wait_dma2 semaphore(%run_scoped3A : memref<!tpu.dma_semaphore, #tpu.memory_space<semaphore_mem>>) src(%arg8 : memref<10000xf32, #tpu.memory_space<vmem>>) dst(%dma_wait3A_28 : memref<10000xf32, #tpu.memory_space<hbm>>)
      tpu.yield
    }) : () -> ()
    "tpu.region"() ({
      %run_scoped3A = tpu.sem_alloc : memref<!tpu.dma_semaphore, #tpu.memory_space<semaphore_mem>>
      %dma_start3A_17 = arith.constant 0 : i32
      %dma_start3A_18 = tpu.memref_slice %arg5[%add3A, %dma_start3A_17] : memref<32x10000xf32, #tpu.memory_space<hbm>> -> memref<1x10000xf32, #tpu.memory_space<hbm>>
      %dma_start3A_19 = tpu.memref_squeeze %dma_start3A_18 : memref<1x10000xf32, #tpu.memory_space<hbm>> -> memref<10000xf32, #tpu.memory_space<hbm>>
      %dma_start3A_20 = arith.constant 0 : i32
      %dma_start3A_21 = tpu.memref_slice %arg5[%add3A, %dma_start3A_20] : memref<32x10000xf32, #tpu.memory_space<hbm>> -> memref<1x10000xf32, #tpu.memory_space<hbm>>
      %dma_start3A_22 = tpu.memref_squeeze %dma_start3A_21 : memref<1x10000xf32, #tpu.memory_space<hbm>> -> memref<10000xf32, #tpu.memory_space<hbm>>
      tpu.enqueue_dma source(%arg9 : memref<10000xf32, #tpu.memory_space<vmem>>) target(%dma_start3A_22 : memref<10000xf32, #tpu.memory_space<hbm>>) target_semaphore(%run_scoped3A : memref<!tpu.dma_semaphore, #tpu.memory_space<semaphore_mem>>)
      %dma_wait3A_23 = arith.constant 0 : i32
      %dma_wait3A_24 = tpu.memref_slice %arg5[%add3A, %dma_wait3A_23] : memref<32x10000xf32, #tpu.memory_space<hbm>> -> memref<1x10000xf32, #tpu.memory_space<hbm>>
      %dma_wait3A_25 = tpu.memref_squeeze %dma_wait3A_24 : memref<1x10000xf32, #tpu.memory_space<hbm>> -> memref<10000xf32, #tpu.memory_space<hbm>>
      %dma_wait3A_26 = arith.constant 0 : i32
      %dma_wait3A_27 = tpu.memref_slice %arg5[%add3A, %dma_wait3A_26] : memref<32x10000xf32, #tpu.memory_space<hbm>> -> memref<1x10000xf32, #tpu.memory_space<hbm>>
      %dma_wait3A_28 = tpu.memref_squeeze %dma_wait3A_27 : memref<1x10000xf32, #tpu.memory_space<hbm>> -> memref<10000xf32, #tpu.memory_space<hbm>>
      tpu.wait_dma2 semaphore(%run_scoped3A : memref<!tpu.dma_semaphore, #tpu.memory_space<semaphore_mem>>) src(%arg9 : memref<10000xf32, #tpu.memory_space<vmem>>) dst(%dma_wait3A_28 : memref<10000xf32, #tpu.memory_space<hbm>>)
      tpu.yield
    }) : () -> ()
    return
  }
}

module attributes {stable_mosaic.version = 14 : i64} {
  func.func @body(%arg0: memref<32x10000xf32, #tpu.memory_space<vmem>>, %arg1: memref<32x10000xf32, #tpu.memory_space<vmem>>, %arg2: memref<1x128xf32, #tpu.memory_space<vmem>>, %arg3: memref<1x128xf32, #tpu.memory_space<vmem>>, %arg4: memref<1x128xf32, #tpu.memory_space<vmem>>, %arg5: memref<128x128xf32, #tpu.memory_space<vmem>>, %arg6: memref<1x128xf32, #tpu.memory_space<vmem>>, %arg7: memref<10000x128xf32, #tpu.memory_space<vmem>>) attributes {dimension_semantics = [], scalar_prefetch = 0 : i64, scratch_operands = 0 : i64, tpu.core_type = #tpu.core_type<tc>} {
    %get3A = arith.constant 0 : index
    %get3A_0 = arith.constant 0 : index
    %get3A_1 = vector.load %arg2[%get3A, %get3A_0] : memref<1x128xf32, #tpu.memory_space<vmem>>, vector<1x128xf32>
    %get3A_2 = arith.constant 0 : index
    %get3A_3 = arith.constant 0 : index
    %get3A_4 = vector.load %arg3[%get3A_2, %get3A_3] : memref<1x128xf32, #tpu.memory_space<vmem>>, vector<1x128xf32>
    %add3A = arith.addf %get3A_1, %get3A_4 : vector<1x128xf32>
    %get3A_5 = arith.constant 0 : index
    %get3A_6 = arith.constant 0 : index
    %get3A_7 = vector.load %arg4[%get3A_5, %get3A_6] : memref<1x128xf32, #tpu.memory_space<vmem>>, vector<1x128xf32>
    %mul3A = arith.mulf %add3A, %get3A_7 : vector<1x128xf32>
    %get3A_8 = arith.constant 0 : index
    %get3A_9 = arith.constant 0 : index
    %get3A_10 = vector.load %arg5[%get3A_8, %get3A_9] : memref<128x128xf32, #tpu.memory_space<vmem>>, vector<128x128xf32>
    %dot_general3A = arith.constant dense<0.000000e+00> : vector<1x128xf32>
    %dot_general3A_11 = tpu.matmul %mul3A, %get3A_10, %dot_general3A {dimension_numbers = #tpu.dot_dimension_numbers<[1], [1], [0], [0], [0, 0, 1, 0], [], []>, transpose_lhs_hint = false} : vector<1x128xf32>, vector<128x128xf32>, vector<1x128xf32> -> vector<1x128xf32>
    %mul3A_12 = arith.constant 0.176776692 : f32
    %mul3A_13 = vector.broadcast %mul3A_12 : f32 to vector<1x128xf32>
    %mul3A_14 = arith.mulf %dot_general3A_11, %mul3A_13 : vector<1x128xf32>
    %broadcast_in_dim3A = vector.shape_cast %mul3A_14 : vector<1x128xf32> to vector<1x128xf32>
    %broadcast_in_dim3A_15 = vector.broadcast %broadcast_in_dim3A : vector<1x128xf32> to vector<32x128xf32>
    %get3A_16 = arith.constant 0 : index
    %get3A_17 = arith.constant 0 : index
    %get3A_18 = vector.load %arg6[%get3A_16, %get3A_17] : memref<1x128xf32, #tpu.memory_space<vmem>>, vector<1x128xf32>
    %mul3A_19 = arith.constant 0.176776692 : f32
    %mul3A_20 = vector.broadcast %mul3A_19 : f32 to vector<1x128xf32>
    %mul3A_21 = arith.mulf %get3A_18, %mul3A_20 : vector<1x128xf32>
    %broadcast_in_dim3A_22 = vector.shape_cast %mul3A_21 : vector<1x128xf32> to vector<1x128xf32>
    %broadcast_in_dim3A_23 = vector.broadcast %broadcast_in_dim3A_22 : vector<1x128xf32> to vector<32x128xf32>
    %get3A_24 = arith.constant 0 : index
    %get3A_25 = arith.constant 0 : index
    %get3A_26 = vector.load %arg0[%get3A_24, %get3A_25] : memref<32x10000xf32, #tpu.memory_space<vmem>>, vector<32x10000xf32>
    %dot_general3A_27 = arith.constant dense<0.000000e+00> : vector<10000x128xf32>
    %dot_general3A_28 = tpu.matmul %get3A_26, %broadcast_in_dim3A_15, %dot_general3A_27 {dimension_numbers = #tpu.dot_dimension_numbers<[0], [0], [1], [1], [0, 1, 1, 1], [], []>, transpose_lhs_hint = false} : vector<32x10000xf32>, vector<32x128xf32>, vector<10000x128xf32> -> vector<10000x128xf32>
    %get3A_29 = arith.constant 0 : index
    %get3A_30 = arith.constant 0 : index
    %get3A_31 = vector.load %arg1[%get3A_29, %get3A_30] : memref<32x10000xf32, #tpu.memory_space<vmem>>, vector<32x10000xf32>
    %dot_general3A_32 = arith.constant dense<0.000000e+00> : vector<10000x128xf32>
    %dot_general3A_33 = tpu.matmul %get3A_31, %broadcast_in_dim3A_23, %dot_general3A_32 {dimension_numbers = #tpu.dot_dimension_numbers<[0], [0], [1], [1], [0, 1, 1, 1], [], []>, transpose_lhs_hint = false} : vector<32x10000xf32>, vector<32x128xf32>, vector<10000x128xf32> -> vector<10000x128xf32>
    %add3A_34 = arith.addf %dot_general3A_28, %dot_general3A_33 : vector<10000x128xf32>
    %swap3A = arith.constant 0 : index
    %swap3A_35 = arith.constant 0 : index
    %swap3A_36 = vector.load %arg7[%swap3A, %swap3A_35] : memref<10000x128xf32, #tpu.memory_space<vmem>>, vector<10000x128xf32>
    tpu.vector_store %arg7[%swap3A, %swap3A_35], %add3A_34 {strides = array<i32>} : memref<10000x128xf32, #tpu.memory_space<vmem>>, vector<10000x128xf32>,
    return
  }
}

</mosaic_0001>

<sc_bundles>
// kernel: kernel.4.cloned.1.call-start
scs
__scs_entry_jumppad:
0x0: {  	(pc) =	sbr.rel $0x88, $3  }
0x1: {  	(tag) =	ssettag $0x0;
	lr =	simm.s32 $0x1  }
0x2: {  	[smem:$0x3F9A] =	sst lr;
	_ =	strace $0xD0000000  }
0x3: {  	_ = 	snop  }
0x4: {  	_ = 	snop  }
0x5: {  	_ = 	snop  }
0x6: {  	_ = 	snop  }
0x7: {  	_ = 	snop  }
__scs_overlays_trampoline_lowered:
0x8: {  	[smem:$0x3FA9] =	sst s0  }
0x9: {  	[smem:$0x3FAA] =	sst s1  }
0xa: {  	[smem:$0x3FAB] =	sst s2  }
0xb: {  	[smem:$0x3FAC] =	sst s3  }
0xc: {  	[smem:$0x3FAD] =	sst s4  }
0xd: {  	[smem:$0x3FAE] =	sst s5  }
0xe: {  	[smem:$0x3FAF] =	sst s6  }
0xf: {  	[smem:$0x3FB0] =	sst s7  }
0x10: {  	[smem:$0x3FB1] =	sst s8  }
0x11: {  	[smem:$0x3FB2] =	sst s9;
	s0 =	simm.s32 @!p0 $0x0  }
0x12: {  	s1 =	sld [smem:$0x3F98];
	s0 =	simm.s32 @p0 $0x1  }
0x13: {  	[smem:$0x3FB3] =	sst s0;
	s0 =	simm.s32 @!p1 $0x0  }
0x14: {  	s2 =	sld [smem:$0x3F97];
	s0 =	simm.s32 @p1 $0x1  }
0x15: {  	[smem:$0x3FB4] =	sst s0;
	s0 =	simm.s32 @!p2 $0x0  }
0x16: {  	s3 =	sld [smem:$0x3FDB];
	s0 =	simm.s32 @p2 $0x1  }
0x17: {  	s4 =	simm.s32 $0x1BF5;
	[smem:$0x3FB6] =	sst s0  }
0x18: {  	s0 =	sld [smem:$0x3F99];
	_ =	swait.ge [sflag:s4], $0x0  }
0x19: {  	s7 =	sld [smem:$0x3F9A]  }
0x1a: {  	s8 =	sadd.s32 $0xFFFFE003, lr  }
0x1b: {  	s9 =	sadd.s32 $0xFFFFFEF7, lr;
	s5 =	simm.s32 $0xFFFFFFFF;
	p2 =	slt.u32 s8, $0xFFFFF086  }
0x1c: {  	p1 =	slt.u32 s9, $0xF7A;
	s5 =	simm.s32 @!p2 $0x0  }
0x1d: {  	s5 =	simm.s32 @p1 $0x1;
	p0 =	seq.s32 s7, s2  }
0x1e: {  	s7 =	smul.u32 @!p0 $0xF7A, s2;
	p2 =	seq.s32 @!p0 s5, $0x0  }
0x1f: {  	s9 =	smul.u32 $0xF7A, s1;
	s8 =	simm.s32 @!p0 $0x1BF5;
	p2 =	por !p2, p0  }
0x20: {  	[sflag:s8] =	ssyncset.s32 @!p0 $0xFFFFF086;
	s6 =	sadd.s32 @!p0 s3, s7;
	s7 =	simm.s32 @!p0 $0x108  }
0x21: {  	s3 =	sadd.s32 s3, s9;
	s6 =	sadd.s32 @!p0 $0x88, s6;
	s7 =	simm.s32 @p2 $0x1082  }
0x22: {  	[simem:s7], [sflag:s8] =	dma.local @!p0 [hbm:s6], $0xF7A  }
0x23: {  	s9 =	sor.u32 $0xD0000000, s2;
	s6 =	simm.s32 $0x108;
	_ =	swait.ge @!p0 [sflag:s8], $0x0  }
0x24: {  	s3 =	sadd.s32 $0x88, s3;
	s6 =	simm.s32 @!p1 $0x1082;
	[sflag:s4] =	ssyncset.s32 $0xFFFFF086  }
0x25: {  	[simem:s6], [sflag:s4] =	dma.local [hbm:s3], $0xF7A  }
0x26: {  	[smem:$0x3F9A] =	sst s1;
	(tag) =	ssettag s2;
	_ =	strace s9  }
0x27: {  	s1 =	sld [smem:$0x3FAA]  }
0x28: {  	s2 =	sld [smem:$0x3FAB]  }
0x29: {  	s4 =	sld [smem:$0x3FAD]  }
0x2a: {  	p0 =	seq.s32 s5, $0x0;
	s5 =	sld [smem:$0x3FAE]  }
0x2b: {  	s6 =	sld [smem:$0x3FAF]  }
0x2c: {  	s7 =	sld [smem:$0x3FB0]  }
0x2d: {  	s3 =	simm.s32 $0x108;
	s8 =	sld [smem:$0x3FB1]  }
0x2e: {  	s3 =	simm.s32 @!p0 $0x1082;
	s9 =	sld [smem:$0x3FB2]  }
0x2f: {  	lr =	sadd.s32 s0, s3;
	s0 =	sld [smem:$0x3FA9]  }
0x30: {  	s3 =	sld [smem:$0x3FAC]  }
0x31: {  	[smem:$0x3FB5] =	sst s10  }
0x32: {  	s10 =	sld [smem:$0x3FB3];
	_ =	sdelay $0x3  }
0x33: {  	p0 =	seq.s32 s10, $0x1;
	s10 =	sld [smem:$0x3FB5];
	_ =	sdelay $0x3  }
0x34: {  	[smem:$0x3FB5] =	sst s10  }
0x35: {  	s10 =	sld [smem:$0x3FB4];
	_ =	sdelay $0x3  }
0x36: {  	p1 =	seq.s32 s10, $0x1;
	s10 =	sld [smem:$0x3FB5];
	_ =	sdelay $0x3  }
0x37: {  	[smem:$0x3FB5] =	sst s10  }
0x38: {  	s10 =	sld [smem:$0x3FB6]  }
0x39: {  	_ = 	snop;
	(pc) =	sbr.ind lr, $3  }
0x3a: {  	_ = 	snop  }
0x3b: {  	_ = 	snop  }
0x3c: {  	p2 =	seq.s32 s10, $0x1;
	s10 =	sld [smem:$0x3FB5]  }
0x3d: {  	_ =	shalt  }
0x3e: {  	_ =	shalt  }
0x3f: {  	_ =	shalt  }
0x40: {  	_ =	shalt  }
0x41: {  	_ =	shalt  }
0x42: {  	_ =	shalt  }
0x43: {  	_ =	shalt  }
0x44: {  	_ =	shalt  }
0x45: {  	_ =	shalt  }
0x46: {  	_ =	shalt  }
0x47: {  	_ =	shalt  }
0x48: {  	_ =	shalt  }
0x49: {  	_ =	shalt  }
0x4a: {  	_ =	shalt  }
0x4b: {  	_ =	shalt  }
0x4c: {  	_ =	shalt  }
0x4d: {  	_ =	shalt  }
0x4e: {  	_ =	shalt  }
0x4f: {  	_ =	shalt  }
0x50: {  	_ =	shalt  }
0x51: {  	_ =	shalt  }
0x52: {  	_ =	shalt  }
0x53: {  	_ =	shalt  }
0x54: {  	_ =	shalt  }
0x55: {  	_ =	shalt  }
0x56: {  	_ =	shalt  }
0x57: {  	_ =	shalt  }
0x58: {  	_ =	shalt  }
0x59: {  	_ =	shalt  }
0x5a: {  	_ =	shalt  }
0x5b: {  	_ =	shalt  }
0x5c: {  	_ =	shalt  }
0x5d: {  	_ =	shalt  }
0x5e: {  	_ =	shalt  }
0x5f: {  	_ =	shalt  }
0x60: {  	_ =	shalt  }
0x61: {  	_ =	shalt  }
0x62: {  	_ =	shalt  }
0x63: {  	_ =	shalt  }
0x64: {  	_ =	shalt  }
0x65: {  	_ =	shalt  }
0x66: {  	_ =	shalt  }
0x67: {  	_ =	shalt  }
0x68: {  	_ =	shalt  }
0x69: {  	_ =	shalt  }
0x6a: {  	_ =	shalt  }
0x6b: {  	_ =	shalt  }
0x6c: {  	_ =	shalt  }
0x6d: {  	_ =	shalt  }
0x6e: {  	_ =	shalt  }
0x6f: {  	_ =	shalt  }
0x70: {  	_ =	shalt  }
0x71: {  	_ =	shalt  }
0x72: {  	_ =	shalt  }
0x73: {  	_ =	shalt  }
0x74: {  	_ =	shalt  }
0x75: {  	_ =	shalt  }
0x76: {  	_ =	shalt  }
0x77: {  	_ =	shalt  }
0x78: {  	_ =	shalt  }
0x79: {  	_ =	shalt  }
0x7a: {  	_ =	shalt  }
0x7b: {  	_ =	shalt  }
0x7c: {  	_ =	shalt  }
0x7d: {  	_ =	shalt  }
0x7e: {  	_ =	shalt  }
0x7f: {  	_ =	shalt  }
0x80: {  	_ =	shalt  }
0x81: {  	_ =	shalt  }
0x82: {  	_ =	shalt  }
0x83: {  	_ =	shalt  }
0x84: {  	_ =	shalt  }
0x85: {  	_ =	shalt  }
0x86: {  	_ =	shalt  }
0x87: {  	_ =	shalt  }
.Lfunc_end0:
.L_simem_size_0:
called_computation_lowered:
.L_overlay_start_0:
0x88: {  	s2 =	sld [smem:$0x3FD9]  }
0x89: {  	s3 =	sld [smem:$0x3FFE];
	_ =	sdelay $0x1  }
0x8a: {  	s1 =	srdreg.scid  }
0x8b: {  	s0 =	sand.u32 $0x1, s1  }
0x8c: {  	s17 =	sshll.u32 s0, $0xA;
	s2 =	sadd.s32 s3, s2  }
0x8d: {  	s2 =	sadd.s32 s2, s17  }
0x8e: {  	[smem:$0x3FC1] =	sst s2  }
0x8f: {  	_ = 	snop  }
0x90: {  	s2 =	sld [smem:$0x3FC8]  }
0x91: {  	s18 =	sld [smem:$0x3FD0];
	(tm) =	ssettm $0x1  }
0x92: {  	s4 =	sld [smem:$0x3FFB];
	_ =	sdelay $0x3  }
0x93: {  	_ =	strace s4  }
0x94: {  	s4 =	sld [smem:$0x3FFC];
	_ =	sdelay $0x3  }
0x95: {  	_ =	strace s4  }
0x96: {  	s4 =	sld [smem:$0x3FFD];
	_ =	sdelay $0x3  }
0x97: {  	_ =	strace s4  }
0x98: {  	_ =	strace $0x8FFFFFFF  }
0x99: {  	s19 =	sld [smem:$0x3FDB];
	_ =	sdelay $0x1  }
0x9a: {  	s5 =	simm.s32 $_scs_section_size  }
0x9b: {  	s6 =	simm.s32 $_size__tile_overlayer_lowered;
	s7 =	simm.s32 $_tile_overlayer_lowered  }
0x9c: {  	s22 =	simm.s32 $0x1BFF;
	s21 =	sshll.u32 s7, $0x1;
	s4 =	sadd.s32 s5, s19  }
0x9d: {  	s8 =	simm.s32 $0x0;
	s20 =	sshll.u32 s6, $0x1;
	s6 =	sadd.s32 s21, s4  }
0x9e: {  	[timem:s8], [sflag:s22] =	dma.local [hbm:s6], s20  }
0x9f: {  	_ =	swait.ge [sflag:s22], s20  }
0xa0: {  	s5 =	ssub.s32 $0x0, s20;
	[sflag:s22] =	ssyncset.done $0x0  }
0xa1: {  	[sflag:s22] =	ssyncadd.s32 s5;
	_ =	sdelay $0x1  }
0xa2: {  	s23 =	simm.s32 $0x1B8B  }
0xa3: {  	_ =	swait.ge [sflag:s23], $0x1  }
0xa4: {  	[sflag:s23] =	ssyncset.done $0x0  }
0xa5: {  	s25 =	simm.s32 $0x1B8E;
	s24 =	sld [smem:$0x3FFE];
	[sflag:s23] =	ssyncadd.s32 $0xFFFFFFFF  }
0xa6: {  	s26 =	simm.s32 $execute0_lowered;
	[smem:$0x3FD2] =	sst s25  }
0xa7: {  	s6 =	sshll.u32 s26, $0x1;
	_ =	strace $0x80000046;
	[dreg:$0x1] =	wrdreg $0xFFFFFFFF  }
0xa8: {  	s28 =	simm.s32 $_size_execute0_lowered;
	s4 =	sadd.s32 s4, s6;
	[dreg:$0x0] =	wrdreg $0x0  }
0xa9: {  	s6 =	sshll.u32 s28, $0x1;
	[dreg:$0x2] =	wrdreg s4  }
0xaa: {  	[dreg:$0x3] =	wrdreg s6  }
0xab: {  	[dreg:$0x4] =	wrdreg $0xC0  }
0xac: {  	_ =	task [dreg:s8], $0x5FFFF  }
0xad: {  	[dreg:$0x1] =	wrdreg $0xFFFFFFFF  }
0xae: {  	[dreg:$0x0] =	wrdreg $0x60  }
0xaf: {  	[dreg:$0x2] =	wrdreg s2  }
0xb0: {  	[dreg:$0x3] =	wrdreg s24  }
0xb1: {  	[dreg:$0x4] =	wrdreg s18  }
0xb2: {  	[dreg:$0x5] =	wrdreg $0x9  }
0xb3: {  	_ =	task.clear_ibuf [dreg:s8], $0x6FFFF;
	_ =	strace $0x90000046  }
0xb4: {  	s29 =	simm.s32 $0x9;
	_ =	strace $0x80000048  }
0xb5: {  	_ =	swait.ge [sflag:s29], $0x1  }
0xb6: {  	[sflag:s29] =	ssyncadd.s32 $0xFFFFFFFF  }
0xb7: {  	_ =	strace $0x90000048  }
0xb8: {  	_ =	sfence  }
0xb9: {  	s30 =	sld [smem:$0x0];
	_ =	sdelay $0x2  }
0xba: {  	s31 =	sshll.u32 s1, $0xD;
	s1 =	sshrl.u32 s1, $0x2  }
0xbb: {  	s3 =	sand.u32 $0x4000, s31;
	s1 =	sadd.s32 s1, s30  }
0xbc: {  	s0 =	sor.u32 s3, s0;
	s1 =	sshll.u32 s1, $0x11  }
0xbd: {  	s0 =	sor.u32 s1, s0  }
0xbe: {  	s0 =	sadd.s32 $0x8F2B, s0  }
0xbf: {  	[sflag:s0] =	ssyncadd.remote.s32 $0x1  }
0xc0: {  	_ =	sfence.sel $0xFFFF  }
0xc1: {  	[dreg:$0x0] =	wrdreg $0xFFFFFFFF;
	(pc) =	sbr.abs _section_cstart, $3  }
0xc2: {  	[dreg:$0x1] =	wrdreg $0xFFFFFFFF  }
0xc3: {  	_ =	task.clear_ibuf [dreg:s8], $0x2FFFF;
	_ =	strace $0x9FFFFFFF  }
0xc4: {  	(tm) =	ssettm $0x7FFFFFFF  }
0xc5: {  	_ =	shalt  }
tec
execute0_lowered:
.L_overlay_start_1:
0x0: {  	(tag) =	ssettag $0x1  }
0x1: {  	s3 =	rddreg [dreg:$0x0]  }
0x2: {  	s1 =	srdreg.scid;
	s5 =	rddreg [dreg:$0x1]  }
0x3: {  	s0 =	stileid.u32;
	s7 =	rddreg [dreg:$0x2]  }
0x4: {  	s2 =	simm.s32 $0x0;
	s12 =	simm.s32 $0x7680;
	s13 =	simm.s32 $0x80  }
0x5: {  	s14 =	simm.s32 $0x400;
	s15 =	simm.s32 $0x3;
	s16 =	simm.s32 $0x0  }
0x6: {  	s4 =	sand.u32 $0x1, s1;
	s28 =	sshll.u32 s0, $0x1;
	s1 =	rddreg [dreg:$0x3]  }
0x7: {  	s29 =	sshrl.u32 s0, $0x2;
	[smem:$0x7FF] =	sst s2;
	s6 =	sor.u32 s4, s28  }
0x8: {  	s8 =	smul.u32 $0x13C00, s29;
	s4 =	ssub.s32 $0x2, s4;
	s9 =	sshll.u32 s6, $0x7  }
0x9: {  	s6 =	smul.u32 $0x4E2, s6;
	s31 =	sshrl.u32 s4, $0x1;
	s9 =	sand.u32 $0x380, s9  }
0xa: {  	_ =	strace $0x80000047;
	s11 =	ssub.s32 s4, s31;
	s8 =	sor.u32 s8, s9  }
0xb: {  	s30 =	sadd.s32 s6, s5;
	s3 =	sadd.s32 s3, s6;
	s8 =	sshrl.u32 s8, $0x3  }
0xc: {  	s9 =	simm.s32 $0x1;
	s4 =	sadd.s32 $0x1200, s30;
	s10 =	sadd.s32 s8, s5  }
0xd: {  	s5 =	sadd.s32 s7, s8;
	s7 =	smax.u32 s11, $0x1;
	s8 =	simm.s32 $0x2780  }
0xe: {  	v0 =	vimm.f32 $0.0e+00;
	v1 =	vimm.f32 $1.000000000e+00;
	s11 =	simm.s32 $0x4F00;
	s6 =	sadd.s32 $0xB000, s10;
	s10 =	simm.s32 $0x2  }
.LBB2_1:
0xf: {  	[tilespmem:s2], [sflag:$0x1] =	stream.linear.gather [hbm4b:s3+s2], $0x2710, $0x38;
	[tilespmem:$0x9E00] =	vst v63  }
0x10: {  	s18 =	simm.s32 $0x4F20  }
0x11: {  	[tilespmem:s8], [sflag:$0x2] =	stream.linear.gather [hbm4b:s4+s2], $0x2710, $0x38;
	[tilespmem:$0x9E00] =	vst v63  }
0x12: {  	[tilespmem:s18+$0xFFFFFFF0] =	vst v0  }
0x13: {  	[tilespmem:s18+$0x0] =	vst v0  }
0x14: {  	[tilespmem:s18+$0x10] =	vst v0  }
0x15: {  	s17 =	simm.s32 $0x76A0;
	[tilespmem:s18+$0xFFFFFFE0] =	vst v0  }
0x16: {  	[tilespmem:s17+$0xFFFFFFF0] =	vst v0  }
0x17: {  	[tilespmem:s17+$0x0] =	vst v0  }
0x18: {  	[tilespmem:s17+$0x10] =	vst v0  }
0x19: {  	s19 =	simm.s32 $0x4F60;
	s18 =	simm.s32 $0x0;
	[tilespmem:s17+$0xFFFFFFE0] =	vst v0  }
.LBB2_2:
0x1a: {  	[tilespmem:s19+$0xFFFFFFF0] =	vst v0;
	s17 =	sadd.s32 $0x40, s17  }
0x1b: {  	s18 =	sadd.s32 $0x4, s18;
	[tilespmem:s17+$0xFFFFFFF0] =	vst v0  }
0x1c: {  	p0 =	slt.u32 s18, $0x26C;
	[tilespmem:s19+$0x0] =	vst v0  }
.Ltmp0:
0x1d: {  	[tilespmem:s17+$0x0] =	vst v0;
	(pc) =	sbr.rel @p0 .LBB2_2-.Ltmp0, $4  }
0x1e: {  	[tilespmem:s19+$0x10] =	vst v0  }
0x1f: {  	[tilespmem:s17+$0x10] =	vst v0  }
0x20: {  	[tilespmem:s19+$0xFFFFFFE0] =	vst v0  }
0x21: {  	s19 =	sadd.s32 $0x40, s19;
	[tilespmem:s17+$0xFFFFFFE0] =	vst v0  }
0x22: {  	[tilespmem:$0x7600] =	vst v0  }
0x23: {  	[tilespmem:$0x9D80] =	vst v0  }
0x24: {  	_ =	swait.ge [sflag:s9], $0x2710  }
0x25: {  	[sflag:s9] =	ssyncset.done $0x0  }
0x26: {  	[sflag:s9] =	ssyncadd.s32 $0xFFFFD8F0  }
0x27: {  	_ =	swait.ge [sflag:s10], $0x2710  }
0x28: {  	[sflag:s10] =	ssyncset.done $0x0  }
0x29: {  	s18 =	simm.s32 $0x40;
	[sflag:s10] =	ssyncadd.s32 $0xFFFFD8F0  }
0x2a: {  	v2 =	vld [tilespmem:s18+$0x30]  }
0x2b: {  	v3 =	vld [tilespmem:s18+$0xFFFFFFD0]  }
0x2c: {  	s17 =	simm.s32 $0x27C0;
	v4 =	vld [tilespmem:s18+$0xFFFFFFE0]  }
0x2d: {  	v5 =	vld [tilespmem:s17+$0x30]  }
0x2e: {  	v6 =	vld [tilespmem:s18+$0xFFFFFFF0]  }
0x2f: {  	v7 =	vld [tilespmem:s18+$0x0]  }
0x30: {  	v8 =	vld [tilespmem:s18+$0x10]  }
0x31: {  	v9 =	vld [tilespmem:s18+$0x20]  }
0x32: {  	v63 =	vld [tilespmem:s17+$0xFFFFFFC0]  }
0x33: {  	v10 =	vld [tilespmem:s17+$0xFFFFFFD0]  }
0x34: {  	v11 =	vld [tilespmem:s17+$0xFFFFFFE0]  }
0x35: {  	v12 =	vld [tilespmem:s17+$0xFFFFFFF0]  }
0x36: {  	v13 =	vld [tilespmem:s17+$0x0]  }
0x37: {  	v14 =	vld [tilespmem:s17+$0x10]  }
0x38: {  	v15 =	vld [tilespmem:s17+$0x20]  }
0x39: {  	[tilespmem:v2+s11+$0x0] =	vst.idx.add.f32.msk $0xffff, v5  }
0x3a: {  	[tilespmem:v3+s11+$0x0] =	vst.idx.add.f32.msk $0xffff, v10  }
0x3b: {  	[tilespmem:v4+s11+$0x0] =	vst.idx.add.f32.msk $0xffff, v11  }
0x3c: {  	[tilespmem:v6+s11+$0x0] =	vst.idx.add.f32.msk $0xffff, v12  }
0x3d: {  	[tilespmem:v7+s11+$0x0] =	vst.idx.add.f32.msk $0xffff, v13  }
0x3e: {  	[tilespmem:v8+s11+$0x0] =	vst.idx.add.f32.msk $0xffff, v14  }
0x3f: {  	[tilespmem:v2+s12+$0x0] =	vst.idx.add.f32.msk $0xffff, v1  }
0x40: {  	v2 =	vld [tilespmem:s18+$0xFFFFFFC0]  }
0x41: {  	[tilespmem:v9+s11+$0x0] =	vst.idx.add.f32.msk $0xffff, v15  }
0x42: {  	[tilespmem:v3+s12+$0x0] =	vst.idx.add.f32.msk $0xffff, v1  }
0x43: {  	[tilespmem:v4+s12+$0x0] =	vst.idx.add.f32.msk $0xffff, v1  }
0x44: {  	[tilespmem:v6+s12+$0x0] =	vst.idx.add.f32.msk $0xffff, v1  }
0x45: {  	[tilespmem:v7+s12+$0x0] =	vst.idx.add.f32.msk $0xffff, v1  }
0x46: {  	[tilespmem:v8+s12+$0x0] =	vst.idx.add.f32.msk $0xffff, v1  }
0x47: {  	[tilespmem:v9+s12+$0x0] =	vst.idx.add.f32.msk $0xffff, v1  }
0x48: {  	[tilespmem:v2+s11+$0x0] =	vst.idx.add.f32.msk $0xffff, v63  }
0x49: {  	s19 =	simm.s32 $0xC0;
	s18 =	simm.s32 $0x0;
	[tilespmem:v2+s12+$0x0] =	vst.idx.add.f32.msk $0xffff, v1  }
.LBB2_4:
0x4a: {  	v2 =	vld [tilespmem:s19+$0x30]  }
0x4b: {  	s18 =	sadd.s32 $0x8, s18;
	v3 =	vld [tilespmem:s19+$0xFFFFFFD0]  }
0x4c: {  	s17 =	sadd.s32 $0x80, s17;
	p0 =	slt.u32 s18, $0x268;
	v4 =	vld [tilespmem:s19+$0xFFFFFFE0]  }
0x4d: {  	v5 =	vld [tilespmem:s17+$0x30]  }
0x4e: {  	v6 =	vld [tilespmem:s19+$0xFFFFFFF0]  }
0x4f: {  	v7 =	vld [tilespmem:s19+$0x0]  }
0x50: {  	v8 =	vld [tilespmem:s19+$0x10]  }
0x51: {  	v9 =	vld [tilespmem:s19+$0x20]  }
0x52: {  	[tilespmem:v2+s11+$0x0] =	vst.idx.add.f32.msk $0xffff, v5  }
0x53: {  	[tilespmem:v2+s12+$0x0] =	vst.idx.add.f32.msk $0xffff, v1  }
0x54: {  	v2 =	vld [tilespmem:s19+$0xFFFFFFC0]  }
0x55: {  	v5 =	vld [tilespmem:s17+$0xFFFFFFC0]  }
0x56: {  	v10 =	vld [tilespmem:s17+$0xFFFFFFD0]  }
0x57: {  	v11 =	vld [tilespmem:s17+$0xFFFFFFE0]  }
0x58: {  	v12 =	vld [tilespmem:s17+$0xFFFFFFF0]  }
0x59: {  	v13 =	vld [tilespmem:s17+$0x0]  }
0x5a: {  	v14 =	vld [tilespmem:s17+$0x10]  }
0x5b: {  	v15 =	vld [tilespmem:s17+$0x20]  }
0x5c: {  	[tilespmem:v2+s11+$0x0] =	vst.idx.add.f32.msk $0xffff, v5  }
0x5d: {  	[tilespmem:v2+s12+$0x0] =	vst.idx.add.f32.msk $0xffff, v1  }
0x5e: {  	[tilespmem:v3+s11+$0x0] =	vst.idx.add.f32.msk $0xffff, v10  }
0x5f: {  	[tilespmem:v3+s12+$0x0] =	vst.idx.add.f32.msk $0xffff, v1  }
0x60: {  	[tilespmem:v4+s11+$0x0] =	vst.idx.add.f32.msk $0xffff, v11  }
0x61: {  	[tilespmem:v4+s12+$0x0] =	vst.idx.add.f32.msk $0xffff, v1  }
0x62: {  	[tilespmem:v6+s11+$0x0] =	vst.idx.add.f32.msk $0xffff, v12  }
0x63: {  	[tilespmem:v6+s12+$0x0] =	vst.idx.add.f32.msk $0xffff, v1  }
0x64: {  	[tilespmem:v7+s11+$0x0] =	vst.idx.add.f32.msk $0xffff, v13  }
.Ltmp1:
0x65: {  	[tilespmem:v7+s12+$0x0] =	vst.idx.add.f32.msk $0xffff, v1;
	(pc) =	sbr.rel @p0 .LBB2_4-.Ltmp1, $4  }
0x66: {  	[tilespmem:v8+s11+$0x0] =	vst.idx.add.f32.msk $0xffff, v14  }
0x67: {  	[tilespmem:v8+s12+$0x0] =	vst.idx.add.f32.msk $0xffff, v1  }
0x68: {  	[tilespmem:v9+s11+$0x0] =	vst.idx.add.f32.msk $0xffff, v15  }
0x69: {  	s19 =	sadd.s32 $0x80, s19;
	[tilespmem:v9+s12+$0x0] =	vst.idx.add.f32.msk $0xffff, v1  }
0x6a: {  	v2 =	vld [tilespmem:$0x2700];
	_ =	sdelay $0x2  }
0x6b: {  	v3 =	vld [tilespmem:$0x4E80];
	_ =	sdelay $0x4  }
0x6c: {  	[tilespmem:v2+s11+$0x0] =	vst.idx.add.f32.msk $0xffff, v3  }
0x6d: {  	[tilespmem:v2+s12+$0x0] =	vst.idx.add.f32.msk $0xffff, v1  }
0x6e: {  	[hbm4b:s5+s13] =	stream.strided.scatter [tilespmem:s11], [sflag:$0x3], $0x2780, s14, s13, $0x38;
	[tilespmem:$0x9E00] =	vst v63  }
0x6f: {  	s16 =	sadd.s32 $0x1, s16;
	_ =	swait.ge [sflag:s15], $0x2780  }
0x70: {  	p0 =	sne.s32 s16, s7;
	[sflag:s15] =	ssyncset.done $0x0  }
.Ltmp2:
0x71: {  	[sflag:s15] =	ssyncadd.s32 $0xFFFFD880;
	(pc) =	sbr.rel @p0 .LBB2_1-.Ltmp2, $4  }
0x72: {  	[hbm4b:s6+s13] =	stream.strided.scatter [tilespmem:s12], [sflag:$0x3], $0x2780, s14, s13, $0x38;
	[tilespmem:$0x9E00] =	vst v63  }
0x73: {  	_ =	swait.ge [sflag:s15], $0x2780  }
0x74: {  	[sflag:s15] =	ssyncset.done $0x0  }
0x75: {  	[sflag:s15] =	ssyncadd.s32 $0xFFFFD880  }
0x76: {  	_ =	sfence.sel $0x180000  }
0x77: {  	[bflag:$0x0] =	sbarrier.arrive $0xFFFF  }
0x78: {  	p0 =	sne.s32 s0, $0x0;
	_ =	strace $0x90000047  }
0x79: {  	s0 =	sadd.s32 @!p0 $0x100000, s1;
	[bflag:$0x2] =	sbarrier.arrive $0xFFFF  }
0x7a: {  	[sflag:s0] =	ssyncadd.tile.s32 @!p0 $0x1;
	_ =	shalt  }
.Lfunc_end2:
_tile_overlayer_lowered:
.L_overlay_start_2:
0x7b: {  	(tag) =	ssettag $0x2  }
0x7c: {  	s0 =	rddreg [dreg:$0x0];
	s2 =	stileid.u32  }
0x7d: {  	s1 =	rddreg [dreg:$0x1];
	p0 =	sne.s32 s2, $0x0  }
0x7e: {  	s3 =	rddreg [dreg:$0x2];
	[bflag:$0x3] =	sbarrier.arrive $0xFFFF;
	s2 =	simm.s32 @!p0 $0x1C03  }
0x7f: {  	[timem:s3], [sflag:s2] =	dma.local @!p0 [hbm:s0], s1  }
0x80: {  	s0 =	simm.s32 @!p0 $0x3  }
0x81: {  	_ =	swait.ge @!p0 [sflag:s0], s1  }
0x82: {  	s1 =	ssub.s32 @!p0 $0x0, s1;
	[sflag:s0] =	ssyncset.done @!p0 $0x0  }
0x83: {  	[sflag:s0] =	ssyncadd.s32 @!p0 s1  }
0x84: {  	[bflag:$0x3] =	sbarrier.arrive $0xFFFF  }
0x85: {  	_ =	shalt  }

</sc_bundles>
